<compile_context>
chip_gen: v7x
topology: tpu7x:2x2x1
jax: 0.10.2.dev20260603
libtpu: 0.0.44.dev20260713+nightly
codegen_flags: <defaults>
</compile_context>

<pallas_src>
import functools

import jax
import jax.numpy as jnp
from jax import lax
from jax.experimental import pallas as pl
from jax.experimental.pallas import tpu as pltpu
from jax.experimental.pallas import tpu_sc as plsc

_ROWS = 8192
_DIM = 1024
_NC = 2
_NS = 16
_NW = _NC * _NS
_ROWS_PER_W = _ROWS // _NW
_CHUNK = 16
_DEPTH = 4
_NCHUNK = _ROWS_PER_W // _CHUNK
_LOOKBACK = 2


def _make_sc_copy():
    mesh = plsc.VectorSubcoreMesh(core_axis_name="c", subcore_axis_name="s")

    @functools.partial(
        pl.kernel,
        mesh=mesh,
        out_type=jax.ShapeDtypeStruct((_ROWS, _DIM), jnp.float32),
        scratch_types=[
            pltpu.VMEM((_DEPTH, _CHUNK, _DIM), jnp.float32),
            pltpu.SemaphoreType.DMA,
            pltpu.SemaphoreType.DMA,
        ],
    )
    def k(table_hbm, out_hbm, buf, in_sem, out_sem):
        wid = lax.axis_index("s") * _NC + lax.axis_index("c")
        base = wid * _ROWS_PER_W

        def in_copy(c, slot):
            return pltpu.make_async_copy(
                table_hbm.at[pl.ds(base + c * _CHUNK, _CHUNK)],
                buf.at[slot], in_sem)

        def out_copy(c, slot):
            return pltpu.make_async_copy(
                buf.at[slot],
                out_hbm.at[pl.ds(base + c * _CHUNK, _CHUNK)], out_sem)

        for b in range(_DEPTH):
            in_copy(b, b).start()

        def body(c, _):
            slot = lax.rem(c, _DEPTH)
            in_copy(c, slot).wait()
            out_copy(c, slot).start()

            @pl.when((c >= _LOOKBACK) & (c + _DEPTH - _LOOKBACK < _NCHUNK))
            def _():
                oslot = lax.rem(c - _LOOKBACK, _DEPTH)
                out_copy(c - _LOOKBACK, oslot).wait()
                in_copy(c + _DEPTH - _LOOKBACK, oslot).start()

            return ()

        lax.fori_loop(0, _NCHUNK, body, (), unroll=False)
        for c in range(_NCHUNK - _DEPTH, _NCHUNK):
            out_copy(c, c % _DEPTH).wait()

    return k


_sc_copy = _make_sc_copy()


def kernel(x, emb_weight):
    del x
    return _sc_copy(emb_weight)

# --- scband reference (transcript-rebuilt; emitter-appended) ---
"""Pipeline reference for scband-learned-position-embeddings-39290360824438 (READ-ONLY COPY).

The authoritative reference and input builder live on the scoring server;
editing this copy changes nothing except your own understanding.
"""

import jax, jax.numpy as jnp
import numpy as np

SEQ_LEN = 8192
MODEL_DIM = 1024
BATCH = 4


def setup_inputs(seed: int = 0) -> dict:
    key = jax.random.key(seed)
    k_x, k_emb = jax.random.split(key)
    x = jax.random.randint(k_x, (BATCH, SEQ_LEN), 0, 1000, dtype=jnp.int64 if jax.config.jax_enable_x64 else jnp.int32)
    emb_weight = jax.random.normal(k_emb, (SEQ_LEN, MODEL_DIM), dtype=jnp.float32) * 0.02
    return {"x": x, "emb_weight": emb_weight}


def reference(x, emb_weight):
    # forward: sl = x.shape[1]; return self.emb(torch.arange(0, sl))
    sl = x.shape[1]
    idx = jnp.arange(0, sl)
    return jnp.take(emb_weight, idx, axis=0)

if __name__ == "__main__":
    import jax
    _d = setup_inputs()
    print(jax.jit(kernel)(*tuple(_d.values())))

</pallas_src>

<mosaic_0001>
#map = affine_map<(d0, d1) -> (0, 0)>
module attributes {stable_mosaic.version = 14 : i64} {
  func.func @k(%arg0: i32, %arg1: i32, %arg2: memref<8192x1024xf32, #tpu.memory_space<hbm>>, %arg3: memref<8192x1024xf32, #tpu.memory_space<hbm>>, %arg4: memref<4x16x1024xf32, #tpu.memory_space<vmem>>, %arg5: memref<!tpu.dma_semaphore, #tpu.memory_space<semaphore_mem>>, %arg6: memref<!tpu.dma_semaphore, #tpu.memory_space<semaphore_mem>>) attributes {dimension_semantics = [#tpu.dimension_semantics<core_parallel>, #tpu.dimension_semantics<subcore_parallel>], iteration_bounds = array<i64: 2, 16>, scalar_prefetch = 0 : i64, scratch_operands = 3 : i64, tpu.core_type = #tpu.core_type<sc_vector_subcore>, window_params = [{transform_indices = #map}, {transform_indices = #map}]} {
    %mul3A = arith.constant 2 : i32
    %mul3A_0 = arith.muli %arg1, %mul3A : i32
    %add3A = arith.addi %mul3A_0, %arg0 : i32
    %mul3A_1 = arith.constant 256 : i32
    %mul3A_2 = arith.muli %add3A, %mul3A_1 : i32
    %add3A_3 = arith.constant 0 : i32
    %add3A_4 = arith.addi %mul3A_2, %add3A_3 : i32
    %dma_start3A = arith.constant 0 : i32
    %dma_start3A_5 = arith.constant 0 : i32
    %dma_start3A_6 = arith.constant 0 : i32
    %dma_start3A_7 = tpu.memref_slice %arg4[%dma_start3A, %dma_start3A_5, %dma_start3A_6] : memref<4x16x1024xf32, #tpu.memory_space<vmem>> -> memref<1x16x1024xf32, #tpu.memory_space<vmem>>
    %dma_start3A_8 = tpu.memref_squeeze %dma_start3A_7 : memref<1x16x1024xf32, #tpu.memory_space<vmem>> -> memref<16x1024xf32, #tpu.memory_space<vmem>>
    %dma_start3A_9 = arith.constant 0 : i32
    %dma_start3A_10 = tpu.memref_slice %arg2[%add3A_4, %dma_start3A_9] : memref<8192x1024xf32, #tpu.memory_space<hbm>> -> memref<16x1024xf32, #tpu.memory_space<hbm>>
    %dma_start3A_11 = arith.constant 0 : i32
    %dma_start3A_12 = arith.constant 0 : i32
    %dma_start3A_13 = tpu.memref_slice %arg4[%dma_start3A, %dma_start3A_11, %dma_start3A_12] : memref<4x16x1024xf32, #tpu.memory_space<vmem>> -> memref<1x16x1024xf32, #tpu.memory_space<vmem>>
    %dma_start3A_14 = tpu.memref_squeeze %dma_start3A_13 : memref<1x16x1024xf32, #tpu.memory_space<vmem>> -> memref<16x1024xf32, #tpu.memory_space<vmem>>
    %dma_start3A_15 = arith.constant 0 : i32
    %dma_start3A_16 = tpu.memref_slice %arg2[%add3A_4, %dma_start3A_15] : memref<8192x1024xf32, #tpu.memory_space<hbm>> -> memref<16x1024xf32, #tpu.memory_space<hbm>>
    tpu.enqueue_dma source(%dma_start3A_16 : memref<16x1024xf32, #tpu.memory_space<hbm>>) target(%dma_start3A_14 : memref<16x1024xf32, #tpu.memory_space<vmem>>) target_semaphore(%arg5 : memref<!tpu.dma_semaphore, #tpu.memory_space<semaphore_mem>>)
    %add3A_17 = arith.constant 16 : i32
    %add3A_18 = arith.addi %mul3A_2, %add3A_17 : i32
    %dma_start3A_19 = arith.constant 1 : i32
    %dma_start3A_20 = arith.constant 0 : i32
    %dma_start3A_21 = arith.constant 0 : i32
    %dma_start3A_22 = tpu.memref_slice %arg4[%dma_start3A_19, %dma_start3A_20, %dma_start3A_21] : memref<4x16x1024xf32, #tpu.memory_space<vmem>> -> memref<1x16x1024xf32, #tpu.memory_space<vmem>>
    %dma_start3A_23 = tpu.memref_squeeze %dma_start3A_22 : memref<1x16x1024xf32, #tpu.memory_space<vmem>> -> memref<16x1024xf32, #tpu.memory_space<vmem>>
    %dma_start3A_24 = arith.constant 0 : i32
    %dma_start3A_25 = tpu.memref_slice %arg2[%add3A_18, %dma_start3A_24] : memref<8192x1024xf32, #tpu.memory_space<hbm>> -> memref<16x1024xf32, #tpu.memory_space<hbm>>
    %dma_start3A_26 = arith.constant 0 : i32
    %dma_start3A_27 = arith.constant 0 : i32
    %dma_start3A_28 = tpu.memref_slice %arg4[%dma_start3A_19, %dma_start3A_26, %dma_start3A_27] : memref<4x16x1024xf32, #tpu.memory_space<vmem>> -> memref<1x16x1024xf32, #tpu.memory_space<vmem>>
    %dma_start3A_29 = tpu.memref_squeeze %dma_start3A_28 : memref<1x16x1024xf32, #tpu.memory_space<vmem>> -> memref<16x1024xf32, #tpu.memory_space<vmem>>
    %dma_start3A_30 = arith.constant 0 : i32
    %dma_start3A_31 = tpu.memref_slice %arg2[%add3A_18, %dma_start3A_30] : memref<8192x1024xf32, #tpu.memory_space<hbm>> -> memref<16x1024xf32, #tpu.memory_space<hbm>>
    tpu.enqueue_dma source(%dma_start3A_31 : memref<16x1024xf32, #tpu.memory_space<hbm>>) target(%dma_start3A_29 : memref<16x1024xf32, #tpu.memory_space<vmem>>) target_semaphore(%arg5 : memref<!tpu.dma_semaphore, #tpu.memory_space<semaphore_mem>>)
    %add3A_32 = arith.constant 32 : i32
    %add3A_33 = arith.addi %mul3A_2, %add3A_32 : i32
    %dma_start3A_34 = arith.constant 2 : i32
    %dma_start3A_35 = arith.constant 0 : i32
    %dma_start3A_36 = arith.constant 0 : i32
    %dma_start3A_37 = tpu.memref_slice %arg4[%dma_start3A_34, %dma_start3A_35, %dma_start3A_36] : memref<4x16x1024xf32, #tpu.memory_space<vmem>> -> memref<1x16x1024xf32, #tpu.memory_space<vmem>>
    %dma_start3A_38 = tpu.memref_squeeze %dma_start3A_37 : memref<1x16x1024xf32, #tpu.memory_space<vmem>> -> memref<16x1024xf32, #tpu.memory_space<vmem>>
    %dma_start3A_39 = arith.constant 0 : i32
    %dma_start3A_40 = tpu.memref_slice %arg2[%add3A_33, %dma_start3A_39] : memref<8192x1024xf32, #tpu.memory_space<hbm>> -> memref<16x1024xf32, #tpu.memory_space<hbm>>
    %dma_start3A_41 = arith.constant 0 : i32
    %dma_start3A_42 = arith.constant 0 : i32
    %dma_start3A_43 = tpu.memref_slice %arg4[%dma_start3A_34, %dma_start3A_41, %dma_start3A_42] : memref<4x16x1024xf32, #tpu.memory_space<vmem>> -> memref<1x16x1024xf32, #tpu.memory_space<vmem>>
    %dma_start3A_44 = tpu.memref_squeeze %dma_start3A_43 : memref<1x16x1024xf32, #tpu.memory_space<vmem>> -> memref<16x1024xf32, #tpu.memory_space<vmem>>
    %dma_start3A_45 = arith.constant 0 : i32
    %dma_start3A_46 = tpu.memref_slice %arg2[%add3A_33, %dma_start3A_45] : memref<8192x1024xf32, #tpu.memory_space<hbm>> -> memref<16x1024xf32, #tpu.memory_space<hbm>>
    tpu.enqueue_dma source(%dma_start3A_46 : memref<16x1024xf32, #tpu.memory_space<hbm>>) target(%dma_start3A_44 : memref<16x1024xf32, #tpu.memory_space<vmem>>) target_semaphore(%arg5 : memref<!tpu.dma_semaphore, #tpu.memory_space<semaphore_mem>>)
    %add3A_47 = arith.constant 48 : i32
    %add3A_48 = arith.addi %mul3A_2, %add3A_47 : i32
    %dma_start3A_49 = arith.constant 3 : i32
    %dma_start3A_50 = arith.constant 0 : i32
    %dma_start3A_51 = arith.constant 0 : i32
    %dma_start3A_52 = tpu.memref_slice %arg4[%dma_start3A_49, %dma_start3A_50, %dma_start3A_51] : memref<4x16x1024xf32, #tpu.memory_space<vmem>> -> memref<1x16x1024xf32, #tpu.memory_space<vmem>>
    %dma_start3A_53 = tpu.memref_squeeze %dma_start3A_52 : memref<1x16x1024xf32, #tpu.memory_space<vmem>> -> memref<16x1024xf32, #tpu.memory_space<vmem>>
    %dma_start3A_54 = arith.constant 0 : i32
    %dma_start3A_55 = tpu.memref_slice %arg2[%add3A_48, %dma_start3A_54] : memref<8192x1024xf32, #tpu.memory_space<hbm>> -> memref<16x1024xf32, #tpu.memory_space<hbm>>
    %dma_start3A_56 = arith.constant 0 : i32
    %dma_start3A_57 = arith.constant 0 : i32
    %dma_start3A_58 = tpu.memref_slice %arg4[%dma_start3A_49, %dma_start3A_56, %dma_start3A_57] : memref<4x16x1024xf32, #tpu.memory_space<vmem>> -> memref<1x16x1024xf32, #tpu.memory_space<vmem>>
    %dma_start3A_59 = tpu.memref_squeeze %dma_start3A_58 : memref<1x16x1024xf32, #tpu.memory_space<vmem>> -> memref<16x1024xf32, #tpu.memory_space<vmem>>
    %dma_start3A_60 = arith.constant 0 : i32
    %dma_start3A_61 = tpu.memref_slice %arg2[%add3A_48, %dma_start3A_60] : memref<8192x1024xf32, #tpu.memory_space<hbm>> -> memref<16x1024xf32, #tpu.memory_space<hbm>>
    tpu.enqueue_dma source(%dma_start3A_61 : memref<16x1024xf32, #tpu.memory_space<hbm>>) target(%dma_start3A_59 : memref<16x1024xf32, #tpu.memory_space<vmem>>) target_semaphore(%arg5 : memref<!tpu.dma_semaphore, #tpu.memory_space<semaphore_mem>>)
    %scan3A = arith.constant 0 : i32
    %scan3A_62 = arith.constant 16 : i32
    %scan3A_63 = arith.addi %scan3A, %scan3A_62 : i32
    %scan3A_64 = arith.constant 1 : i32
    scf.for %scan3A_125 = %scan3A to %scan3A_63 step %scan3A_64  : i32 {
      %rem3A = arith.constant 4 : i32
      %rem3A_126 = arith.remsi %scan3A_125, %rem3A : i32
      %mul3A_127 = arith.constant 16 : i32
      %mul3A_128 = arith.muli %scan3A_125, %mul3A_127 : i32
      %add3A_129 = arith.addi %mul3A_2, %mul3A_128 : i32
      %dma_wait3A_130 = arith.constant 0 : i32
      %dma_wait3A_131 = arith.constant 0 : i32
      %dma_wait3A_132 = tpu.memref_slice %arg4[%rem3A_126, %dma_wait3A_130, %dma_wait3A_131] : memref<4x16x1024xf32, #tpu.memory_space<vmem>> -> memref<1x16x1024xf32, #tpu.memory_space<vmem>>
      %dma_wait3A_133 = tpu.memref_squeeze %dma_wait3A_132 : memref<1x16x1024xf32, #tpu.memory_space<vmem>> -> memref<16x1024xf32, #tpu.memory_space<vmem>>
      %dma_wait3A_134 = arith.constant 0 : i32
      %dma_wait3A_135 = tpu.memref_slice %arg2[%add3A_129, %dma_wait3A_134] : memref<8192x1024xf32, #tpu.memory_space<hbm>> -> memref<16x1024xf32, #tpu.memory_space<hbm>>
      %dma_wait3A_136 = arith.constant 0 : i32
      %dma_wait3A_137 = arith.constant 0 : i32
      %dma_wait3A_138 = tpu.memref_slice %arg4[%rem3A_126, %dma_wait3A_136, %dma_wait3A_137] : memref<4x16x1024xf32, #tpu.memory_space<vmem>> -> memref<1x16x1024xf32, #tpu.memory_space<vmem>>
      %dma_wait3A_139 = tpu.memref_squeeze %dma_wait3A_138 : memref<1x16x1024xf32, #tpu.memory_space<vmem>> -> memref<16x1024xf32, #tpu.memory_space<vmem>>
      %dma_wait3A_140 = arith.constant 0 : i32
      %dma_wait3A_141 = tpu.memref_slice %arg2[%add3A_129, %dma_wait3A_140] : memref<8192x1024xf32, #tpu.memory_space<hbm>> -> memref<16x1024xf32, #tpu.memory_space<hbm>>
      tpu.wait_dma2 semaphore(%arg5 : memref<!tpu.dma_semaphore, #tpu.memory_space<semaphore_mem>>) src(%dma_wait3A_141 : memref<16x1024xf32, #tpu.memory_space<hbm>>) dst(%dma_wait3A_139 : memref<16x1024xf32, #tpu.memory_space<vmem>>)
      %mul3A_142 = arith.constant 16 : i32
      %mul3A_143 = arith.muli %scan3A_125, %mul3A_142 : i32
      %add3A_144 = arith.addi %mul3A_2, %mul3A_143 : i32
      %dma_start3A_145 = arith.constant 0 : i32
      %dma_start3A_146 = arith.constant 0 : i32
      %dma_start3A_147 = tpu.memref_slice %arg4[%rem3A_126, %dma_start3A_145, %dma_start3A_146] : memref<4x16x1024xf32, #tpu.memory_space<vmem>> -> memref<1x16x1024xf32, #tpu.memory_space<vmem>>
      %dma_start3A_148 = tpu.memref_squeeze %dma_start3A_147 : memref<1x16x1024xf32, #tpu.memory_space<vmem>> -> memref<16x1024xf32, #tpu.memory_space<vmem>>
      %dma_start3A_149 = arith.constant 0 : i32
      %dma_start3A_150 = tpu.memref_slice %arg3[%add3A_144, %dma_start3A_149] : memref<8192x1024xf32, #tpu.memory_space<hbm>> -> memref<16x1024xf32, #tpu.memory_space<hbm>>
      %dma_start3A_151 = arith.constant 0 : i32
      %dma_start3A_152 = tpu.memref_slice %arg3[%add3A_144, %dma_start3A_151] : memref<8192x1024xf32, #tpu.memory_space<hbm>> -> memref<16x1024xf32, #tpu.memory_space<hbm>>
      %dma_start3A_153 = arith.constant 0 : i32
      %dma_start3A_154 = arith.constant 0 : i32
      %dma_start3A_155 = tpu.memref_slice %arg4[%rem3A_126, %dma_start3A_153, %dma_start3A_154] : memref<4x16x1024xf32, #tpu.memory_space<vmem>> -> memref<1x16x1024xf32, #tpu.memory_space<vmem>>
      %dma_start3A_156 = tpu.memref_squeeze %dma_start3A_155 : memref<1x16x1024xf32, #tpu.memory_space<vmem>> -> memref<16x1024xf32, #tpu.memory_space<vmem>>
      tpu.enqueue_dma source(%dma_start3A_156 : memref<16x1024xf32, #tpu.memory_space<vmem>>) target(%dma_start3A_152 : memref<16x1024xf32, #tpu.memory_space<hbm>>) target_semaphore(%arg6 : memref<!tpu.dma_semaphore, #tpu.memory_space<semaphore_mem>>)
      %ge3A = arith.constant 2 : i32
      %ge3A_157 = arith.cmpi sge, %scan3A_125, %ge3A : i32
      %add3A_158 = arith.constant 4 : i32
      %add3A_159 = arith.addi %scan3A_125, %add3A_158 : i32
      %sub3A = arith.constant 2 : i32
      %sub3A_160 = arith.subi %add3A_159, %sub3A : i32
      %lt3A = arith.constant 16 : i32
      %lt3A_161 = arith.cmpi slt, %sub3A_160, %lt3A : i32
      %and3A = arith.andi %ge3A_157, %lt3A_161 : i1
      %convert_element_type3A = arith.extui %and3A : i1 to i32
      %cond3A = arith.constant 0 : i32
      %cond3A_162 = arith.cmpi ne, %convert_element_type3A, %cond3A : i32
      scf.if %cond3A_162 {
        %sub3A_163 = arith.constant 2 : i32
        %sub3A_164 = arith.subi %scan3A_125, %sub3A_163 : i32
        %rem3A_165 = arith.constant 4 : i32
        %rem3A_166 = arith.remsi %sub3A_164, %rem3A_165 : i32
        %sub3A_167 = arith.constant 2 : i32
        %sub3A_168 = arith.subi %scan3A_125, %sub3A_167 : i32
        %mul3A_169 = arith.constant 16 : i32
        %mul3A_170 = arith.muli %sub3A_168, %mul3A_169 : i32
        %add3A_171 = arith.addi %mul3A_2, %mul3A_170 : i32
        %dma_wait3A_172 = arith.constant 0 : i32
        %dma_wait3A_173 = arith.constant 0 : i32
        %dma_wait3A_174 = tpu.memref_slice %arg4[%rem3A_166, %dma_wait3A_172, %dma_wait3A_173] : memref<4x16x1024xf32, #tpu.memory_space<vmem>> -> memref<1x16x1024xf32, #tpu.memory_space<vmem>>
        %dma_wait3A_175 = tpu.memref_squeeze %dma_wait3A_174 : memref<1x16x1024xf32, #tpu.memory_space<vmem>> -> memref<16x1024xf32, #tpu.memory_space<vmem>>
        %dma_wait3A_176 = arith.constant 0 : i32
        %dma_wait3A_177 = tpu.memref_slice %arg3[%add3A_171, %dma_wait3A_176] : memref<8192x1024xf32, #tpu.memory_space<hbm>> -> memref<16x1024xf32, #tpu.memory_space<hbm>>
        %dma_wait3A_178 = arith.constant 0 : i32
        %dma_wait3A_179 = tpu.memref_slice %arg3[%add3A_171, %dma_wait3A_178] : memref<8192x1024xf32, #tpu.memory_space<hbm>> -> memref<16x1024xf32, #tpu.memory_space<hbm>>
        %dma_wait3A_180 = arith.constant 0 : i32
        %dma_wait3A_181 = arith.constant 0 : i32
        %dma_wait3A_182 = tpu.memref_slice %arg4[%rem3A_166, %dma_wait3A_180, %dma_wait3A_181] : memref<4x16x1024xf32, #tpu.memory_space<vmem>> -> memref<1x16x1024xf32, #tpu.memory_space<vmem>>
        %dma_wait3A_183 = tpu.memref_squeeze %dma_wait3A_182 : memref<1x16x1024xf32, #tpu.memory_space<vmem>> -> memref<16x1024xf32, #tpu.memory_space<vmem>>
        tpu.wait_dma2 semaphore(%arg6 : memref<!tpu.dma_semaphore, #tpu.memory_space<semaphore_mem>>) src(%dma_wait3A_183 : memref<16x1024xf32, #tpu.memory_space<vmem>>) dst(%dma_wait3A_179 : memref<16x1024xf32, #tpu.memory_space<hbm>>)
        %add3A_184 = arith.constant 4 : i32
        %add3A_185 = arith.addi %scan3A_125, %add3A_184 : i32
        %sub3A_186 = arith.constant 2 : i32
        %sub3A_187 = arith.subi %add3A_185, %sub3A_186 : i32
        %mul3A_188 = arith.constant 16 : i32
        %mul3A_189 = arith.muli %sub3A_187, %mul3A_188 : i32
        %add3A_190 = arith.addi %mul3A_2, %mul3A_189 : i32
        %dma_start3A_191 = arith.constant 0 : i32
        %dma_start3A_192 = arith.constant 0 : i32
        %dma_start3A_193 = tpu.memref_slice %arg4[%rem3A_166, %dma_start3A_191, %dma_start3A_192] : memref<4x16x1024xf32, #tpu.memory_space<vmem>> -> memref<1x16x1024xf32, #tpu.memory_space<vmem>>
        %dma_start3A_194 = tpu.memref_squeeze %dma_start3A_193 : memref<1x16x1024xf32, #tpu.memory_space<vmem>> -> memref<16x1024xf32, #tpu.memory_space<vmem>>
        %dma_start3A_195 = arith.constant 0 : i32
        %dma_start3A_196 = tpu.memref_slice %arg2[%add3A_190, %dma_start3A_195] : memref<8192x1024xf32, #tpu.memory_space<hbm>> -> memref<16x1024xf32, #tpu.memory_space<hbm>>
        %dma_start3A_197 = arith.constant 0 : i32
        %dma_start3A_198 = arith.constant 0 : i32
        %dma_start3A_199 = tpu.memref_slice %arg4[%rem3A_166, %dma_start3A_197, %dma_start3A_198] : memref<4x16x1024xf32, #tpu.memory_space<vmem>> -> memref<1x16x1024xf32, #tpu.memory_space<vmem>>
        %dma_start3A_200 = tpu.memref_squeeze %dma_start3A_199 : memref<1x16x1024xf32, #tpu.memory_space<vmem>> -> memref<16x1024xf32, #tpu.memory_space<vmem>>
        %dma_start3A_201 = arith.constant 0 : i32
        %dma_start3A_202 = tpu.memref_slice %arg2[%add3A_190, %dma_start3A_201] : memref<8192x1024xf32, #tpu.memory_space<hbm>> -> memref<16x1024xf32, #tpu.memory_space<hbm>>
        tpu.enqueue_dma source(%dma_start3A_202 : memref<16x1024xf32, #tpu.memory_space<hbm>>) target(%dma_start3A_200 : memref<16x1024xf32, #tpu.memory_space<vmem>>) target_semaphore(%arg5 : memref<!tpu.dma_semaphore, #tpu.memory_space<semaphore_mem>>)
      } else {
      }
    }
    %scan3A_65 = arith.constant 16 : i32
    %add3A_66 = arith.constant 192 : i32
    %add3A_67 = arith.addi %mul3A_2, %add3A_66 : i32
    %dma_wait3A = arith.constant 0 : i32
    %dma_wait3A_68 = arith.constant 0 : i32
    %dma_wait3A_69 = arith.constant 0 : i32
    %dma_wait3A_70 = tpu.memref_slice %arg4[%dma_wait3A, %dma_wait3A_68, %dma_wait3A_69] : memref<4x16x1024xf32, #tpu.memory_space<vmem>> -> memref<1x16x1024xf32, #tpu.memory_space<vmem>>
    %dma_wait3A_71 = tpu.memref_squeeze %dma_wait3A_70 : memref<1x16x1024xf32, #tpu.memory_space<vmem>> -> memref<16x1024xf32, #tpu.memory_space<vmem>>
    %dma_wait3A_72 = arith.constant 0 : i32
    %dma_wait3A_73 = tpu.memref_slice %arg3[%add3A_67, %dma_wait3A_72] : memref<8192x1024xf32, #tpu.memory_space<hbm>> -> memref<16x1024xf32, #tpu.memory_space<hbm>>
    %dma_wait3A_74 = arith.constant 0 : i32
    %dma_wait3A_75 = tpu.memref_slice %arg3[%add3A_67, %dma_wait3A_74] : memref<8192x1024xf32, #tpu.memory_space<hbm>> -> memref<16x1024xf32, #tpu.memory_space<hbm>>
    %dma_wait3A_76 = arith.constant 0 : i32
    %dma_wait3A_77 = arith.constant 0 : i32
    %dma_wait3A_78 = tpu.memref_slice %arg4[%dma_wait3A, %dma_wait3A_76, %dma_wait3A_77] : memref<4x16x1024xf32, #tpu.memory_space<vmem>> -> memref<1x16x1024xf32, #tpu.memory_space<vmem>>
    %dma_wait3A_79 = tpu.memref_squeeze %dma_wait3A_78 : memref<1x16x1024xf32, #tpu.memory_space<vmem>> -> memref<16x1024xf32, #tpu.memory_space<vmem>>
    tpu.wait_dma2 semaphore(%arg6 : memref<!tpu.dma_semaphore, #tpu.memory_space<semaphore_mem>>) src(%dma_wait3A_79 : memref<16x1024xf32, #tpu.memory_space<vmem>>) dst(%dma_wait3A_75 : memref<16x1024xf32, #tpu.memory_space<hbm>>)
    %add3A_80 = arith.constant 208 : i32
    %add3A_81 = arith.addi %mul3A_2, %add3A_80 : i32
    %dma_wait3A_82 = arith.constant 1 : i32
    %dma_wait3A_83 = arith.constant 0 : i32
    %dma_wait3A_84 = arith.constant 0 : i32
    %dma_wait3A_85 = tpu.memref_slice %arg4[%dma_wait3A_82, %dma_wait3A_83, %dma_wait3A_84] : memref<4x16x1024xf32, #tpu.memory_space<vmem>> -> memref<1x16x1024xf32, #tpu.memory_space<vmem>>
    %dma_wait3A_86 = tpu.memref_squeeze %dma_wait3A_85 : memref<1x16x1024xf32, #tpu.memory_space<vmem>> -> memref<16x1024xf32, #tpu.memory_space<vmem>>
    %dma_wait3A_87 = arith.constant 0 : i32
    %dma_wait3A_88 = tpu.memref_slice %arg3[%add3A_81, %dma_wait3A_87] : memref<8192x1024xf32, #tpu.memory_space<hbm>> -> memref<16x1024xf32, #tpu.memory_space<hbm>>
    %dma_wait3A_89 = arith.constant 0 : i32
    %dma_wait3A_90 = tpu.memref_slice %arg3[%add3A_81, %dma_wait3A_89] : memref<8192x1024xf32, #tpu.memory_space<hbm>> -> memref<16x1024xf32, #tpu.memory_space<hbm>>
    %dma_wait3A_91 = arith.constant 0 : i32
    %dma_wait3A_92 = arith.constant 0 : i32
    %dma_wait3A_93 = tpu.memref_slice %arg4[%dma_wait3A_82, %dma_wait3A_91, %dma_wait3A_92] : memref<4x16x1024xf32, #tpu.memory_space<vmem>> -> memref<1x16x1024xf32, #tpu.memory_space<vmem>>
    %dma_wait3A_94 = tpu.memref_squeeze %dma_wait3A_93 : memref<1x16x1024xf32, #tpu.memory_space<vmem>> -> memref<16x1024xf32, #tpu.memory_space<vmem>>
    tpu.wait_dma2 semaphore(%arg6 : memref<!tpu.dma_semaphore, #tpu.memory_space<semaphore_mem>>) src(%dma_wait3A_94 : memref<16x1024xf32, #tpu.memory_space<vmem>>) dst(%dma_wait3A_90 : memref<16x1024xf32, #tpu.memory_space<hbm>>)
    %add3A_95 = arith.constant 224 : i32
    %add3A_96 = arith.addi %mul3A_2, %add3A_95 : i32
    %dma_wait3A_97 = arith.constant 2 : i32
    %dma_wait3A_98 = arith.constant 0 : i32
    %dma_wait3A_99 = arith.constant 0 : i32
    %dma_wait3A_100 = tpu.memref_slice %arg4[%dma_wait3A_97, %dma_wait3A_98, %dma_wait3A_99] : memref<4x16x1024xf32, #tpu.memory_space<vmem>> -> memref<1x16x1024xf32, #tpu.memory_space<vmem>>
    %dma_wait3A_101 = tpu.memref_squeeze %dma_wait3A_100 : memref<1x16x1024xf32, #tpu.memory_space<vmem>> -> memref<16x1024xf32, #tpu.memory_space<vmem>>
    %dma_wait3A_102 = arith.constant 0 : i32
    %dma_wait3A_103 = tpu.memref_slice %arg3[%add3A_96, %dma_wait3A_102] : memref<8192x1024xf32, #tpu.memory_space<hbm>> -> memref<16x1024xf32, #tpu.memory_space<hbm>>
    %dma_wait3A_104 = arith.constant 0 : i32
    %dma_wait3A_105 = tpu.memref_slice %arg3[%add3A_96, %dma_wait3A_104] : memref<8192x1024xf32, #tpu.memory_space<hbm>> -> memref<16x1024xf32, #tpu.memory_space<hbm>>
    %dma_wait3A_106 = arith.constant 0 : i32
    %dma_wait3A_107 = arith.constant 0 : i32
    %dma_wait3A_108 = tpu.memref_slice %arg4[%dma_wait3A_97, %dma_wait3A_106, %dma_wait3A_107] : memref<4x16x1024xf32, #tpu.memory_space<vmem>> -> memref<1x16x1024xf32, #tpu.memory_space<vmem>>
    %dma_wait3A_109 = tpu.memref_squeeze %dma_wait3A_108 : memref<1x16x1024xf32, #tpu.memory_space<vmem>> -> memref<16x1024xf32, #tpu.memory_space<vmem>>
    tpu.wait_dma2 semaphore(%arg6 : memref<!tpu.dma_semaphore, #tpu.memory_space<semaphore_mem>>) src(%dma_wait3A_109 : memref<16x1024xf32, #tpu.memory_space<vmem>>) dst(%dma_wait3A_105 : memref<16x1024xf32, #tpu.memory_space<hbm>>)
    %add3A_110 = arith.constant 240 : i32
    %add3A_111 = arith.addi %mul3A_2, %add3A_110 : i32
    %dma_wait3A_112 = arith.constant 3 : i32
    %dma_wait3A_113 = arith.constant 0 : i32
    %dma_wait3A_114 = arith.constant 0 : i32
    %dma_wait3A_115 = tpu.memref_slice %arg4[%dma_wait3A_112, %dma_wait3A_113, %dma_wait3A_114] : memref<4x16x1024xf32, #tpu.memory_space<vmem>> -> memref<1x16x1024xf32, #tpu.memory_space<vmem>>
    %dma_wait3A_116 = tpu.memref_squeeze %dma_wait3A_115 : memref<1x16x1024xf32, #tpu.memory_space<vmem>> -> memref<16x1024xf32, #tpu.memory_space<vmem>>
    %dma_wait3A_117 = arith.constant 0 : i32
    %dma_wait3A_118 = tpu.memref_slice %arg3[%add3A_111, %dma_wait3A_117] : memref<8192x1024xf32, #tpu.memory_space<hbm>> -> memref<16x1024xf32, #tpu.memory_space<hbm>>
    %dma_wait3A_119 = arith.constant 0 : i32
    %dma_wait3A_120 = tpu.memref_slice %arg3[%add3A_111, %dma_wait3A_119] : memref<8192x1024xf32, #tpu.memory_space<hbm>> -> memref<16x1024xf32, #tpu.memory_space<hbm>>
    %dma_wait3A_121 = arith.constant 0 : i32
    %dma_wait3A_122 = arith.constant 0 : i32
    %dma_wait3A_123 = tpu.memref_slice %arg4[%dma_wait3A_112, %dma_wait3A_121, %dma_wait3A_122] : memref<4x16x1024xf32, #tpu.memory_space<vmem>> -> memref<1x16x1024xf32, #tpu.memory_space<vmem>>
    %dma_wait3A_124 = tpu.memref_squeeze %dma_wait3A_123 : memref<1x16x1024xf32, #tpu.memory_space<vmem>> -> memref<16x1024xf32, #tpu.memory_space<vmem>>
    tpu.wait_dma2 semaphore(%arg6 : memref<!tpu.dma_semaphore, #tpu.memory_space<semaphore_mem>>) src(%dma_wait3A_124 : memref<16x1024xf32, #tpu.memory_space<vmem>>) dst(%dma_wait3A_120 : memref<16x1024xf32, #tpu.memory_space<hbm>>)
    return
  }
}

</mosaic_0001>

<sc_bundles>
// kernel: kernel.3.cloned.1.call-start
scs
__scs_entry_jumppad:
0x0: {  	(pc) =	sbr.rel $0x88, $3  }
0x1: {  	(tag) =	ssettag $0x0;
	lr =	simm.s32 $0x1  }
0x2: {  	[smem:$0x3FA0] =	sst lr;
	_ =	strace $0xD0000000  }
0x3: {  	_ = 	snop  }
0x4: {  	_ = 	snop  }
0x5: {  	_ = 	snop  }
0x6: {  	_ = 	snop  }
0x7: {  	_ = 	snop  }
__scs_overlays_trampoline_lowered:
0x8: {  	[smem:$0x3FAF] =	sst s0  }
0x9: {  	[smem:$0x3FB0] =	sst s1  }
0xa: {  	[smem:$0x3FB1] =	sst s2  }
0xb: {  	[smem:$0x3FB2] =	sst s3  }
0xc: {  	[smem:$0x3FB3] =	sst s4  }
0xd: {  	[smem:$0x3FB4] =	sst s5  }
0xe: {  	[smem:$0x3FB5] =	sst s6  }
0xf: {  	[smem:$0x3FB6] =	sst s7  }
0x10: {  	[smem:$0x3FB7] =	sst s8  }
0x11: {  	[smem:$0x3FB8] =	sst s9;
	s0 =	simm.s32 @!p0 $0x0  }
0x12: {  	s1 =	sld [smem:$0x3F9E];
	s0 =	simm.s32 @p0 $0x1  }
0x13: {  	[smem:$0x3FB9] =	sst s0;
	s0 =	simm.s32 @!p1 $0x0  }
0x14: {  	s2 =	sld [smem:$0x3F9D];
	s0 =	simm.s32 @p1 $0x1  }
0x15: {  	[smem:$0x3FBA] =	sst s0;
	s0 =	simm.s32 @!p2 $0x0  }
0x16: {  	s3 =	sld [smem:$0x3FDB];
	s0 =	simm.s32 @p2 $0x1  }
0x17: {  	s4 =	simm.s32 $0x1BF5;
	[smem:$0x3FBC] =	sst s0  }
0x18: {  	s0 =	sld [smem:$0x3F9F];
	_ =	swait.ge [sflag:s4], $0x0  }
0x19: {  	s7 =	sld [smem:$0x3FA0]  }
0x1a: {  	s8 =	sadd.s32 $0xFFFFE003, lr  }
0x1b: {  	s9 =	sadd.s32 $0xFFFFFEF7, lr;
	s5 =	simm.s32 $0xFFFFFFFF;
	p2 =	slt.u32 s8, $0xFFFFF086  }
0x1c: {  	p1 =	slt.u32 s9, $0xF7A;
	s5 =	simm.s32 @!p2 $0x0  }
0x1d: {  	s5 =	simm.s32 @p1 $0x1;
	p0 =	seq.s32 s7, s2  }
0x1e: {  	s7 =	smul.u32 @!p0 $0xF7A, s2;
	p2 =	seq.s32 @!p0 s5, $0x0  }
0x1f: {  	s9 =	smul.u32 $0xF7A, s1;
	s8 =	simm.s32 @!p0 $0x1BF5;
	p2 =	por !p2, p0  }
0x20: {  	[sflag:s8] =	ssyncset.s32 @!p0 $0xFFFFF086;
	s6 =	sadd.s32 @!p0 s3, s7;
	s7 =	simm.s32 @!p0 $0x108  }
0x21: {  	s3 =	sadd.s32 s3, s9;
	s6 =	sadd.s32 @!p0 $0x88, s6;
	s7 =	simm.s32 @p2 $0x1082  }
0x22: {  	[simem:s7], [sflag:s8] =	dma.local @!p0 [hbm:s6], $0xF7A  }
0x23: {  	s9 =	sor.u32 $0xD0000000, s2;
	s6 =	simm.s32 $0x108;
	_ =	swait.ge @!p0 [sflag:s8], $0x0  }
0x24: {  	s3 =	sadd.s32 $0x88, s3;
	s6 =	simm.s32 @!p1 $0x1082;
	[sflag:s4] =	ssyncset.s32 $0xFFFFF086  }
0x25: {  	[simem:s6], [sflag:s4] =	dma.local [hbm:s3], $0xF7A  }
0x26: {  	[smem:$0x3FA0] =	sst s1;
	(tag) =	ssettag s2;
	_ =	strace s9  }
0x27: {  	s1 =	sld [smem:$0x3FB0]  }
0x28: {  	s2 =	sld [smem:$0x3FB1]  }
0x29: {  	s4 =	sld [smem:$0x3FB3]  }
0x2a: {  	p0 =	seq.s32 s5, $0x0;
	s5 =	sld [smem:$0x3FB4]  }
0x2b: {  	s6 =	sld [smem:$0x3FB5]  }
0x2c: {  	s7 =	sld [smem:$0x3FB6]  }
0x2d: {  	s3 =	simm.s32 $0x108;
	s8 =	sld [smem:$0x3FB7]  }
0x2e: {  	s3 =	simm.s32 @!p0 $0x1082;
	s9 =	sld [smem:$0x3FB8]  }
0x2f: {  	lr =	sadd.s32 s0, s3;
	s0 =	sld [smem:$0x3FAF]  }
0x30: {  	s3 =	sld [smem:$0x3FB2]  }
0x31: {  	[smem:$0x3FBB] =	sst s10  }
0x32: {  	s10 =	sld [smem:$0x3FB9];
	_ =	sdelay $0x3  }
0x33: {  	p0 =	seq.s32 s10, $0x1;
	s10 =	sld [smem:$0x3FBB];
	_ =	sdelay $0x3  }
0x34: {  	[smem:$0x3FBB] =	sst s10  }
0x35: {  	s10 =	sld [smem:$0x3FBA];
	_ =	sdelay $0x3  }
0x36: {  	p1 =	seq.s32 s10, $0x1;
	s10 =	sld [smem:$0x3FBB];
	_ =	sdelay $0x3  }
0x37: {  	[smem:$0x3FBB] =	sst s10  }
0x38: {  	s10 =	sld [smem:$0x3FBC]  }
0x39: {  	_ = 	snop;
	(pc) =	sbr.ind lr, $3  }
0x3a: {  	_ = 	snop  }
0x3b: {  	_ = 	snop  }
0x3c: {  	p2 =	seq.s32 s10, $0x1;
	s10 =	sld [smem:$0x3FBB]  }
0x3d: {  	_ =	shalt  }
0x3e: {  	_ =	shalt  }
0x3f: {  	_ =	shalt  }
0x40: {  	_ =	shalt  }
0x41: {  	_ =	shalt  }
0x42: {  	_ =	shalt  }
0x43: {  	_ =	shalt  }
0x44: {  	_ =	shalt  }
0x45: {  	_ =	shalt  }
0x46: {  	_ =	shalt  }
0x47: {  	_ =	shalt  }
0x48: {  	_ =	shalt  }
0x49: {  	_ =	shalt  }
0x4a: {  	_ =	shalt  }
0x4b: {  	_ =	shalt  }
0x4c: {  	_ =	shalt  }
0x4d: {  	_ =	shalt  }
0x4e: {  	_ =	shalt  }
0x4f: {  	_ =	shalt  }
0x50: {  	_ =	shalt  }
0x51: {  	_ =	shalt  }
0x52: {  	_ =	shalt  }
0x53: {  	_ =	shalt  }
0x54: {  	_ =	shalt  }
0x55: {  	_ =	shalt  }
0x56: {  	_ =	shalt  }
0x57: {  	_ =	shalt  }
0x58: {  	_ =	shalt  }
0x59: {  	_ =	shalt  }
0x5a: {  	_ =	shalt  }
0x5b: {  	_ =	shalt  }
0x5c: {  	_ =	shalt  }
0x5d: {  	_ =	shalt  }
0x5e: {  	_ =	shalt  }
0x5f: {  	_ =	shalt  }
0x60: {  	_ =	shalt  }
0x61: {  	_ =	shalt  }
0x62: {  	_ =	shalt  }
0x63: {  	_ =	shalt  }
0x64: {  	_ =	shalt  }
0x65: {  	_ =	shalt  }
0x66: {  	_ =	shalt  }
0x67: {  	_ =	shalt  }
0x68: {  	_ =	shalt  }
0x69: {  	_ =	shalt  }
0x6a: {  	_ =	shalt  }
0x6b: {  	_ =	shalt  }
0x6c: {  	_ =	shalt  }
0x6d: {  	_ =	shalt  }
0x6e: {  	_ =	shalt  }
0x6f: {  	_ =	shalt  }
0x70: {  	_ =	shalt  }
0x71: {  	_ =	shalt  }
0x72: {  	_ =	shalt  }
0x73: {  	_ =	shalt  }
0x74: {  	_ =	shalt  }
0x75: {  	_ =	shalt  }
0x76: {  	_ =	shalt  }
0x77: {  	_ =	shalt  }
0x78: {  	_ =	shalt  }
0x79: {  	_ =	shalt  }
0x7a: {  	_ =	shalt  }
0x7b: {  	_ =	shalt  }
0x7c: {  	_ =	shalt  }
0x7d: {  	_ =	shalt  }
0x7e: {  	_ =	shalt  }
0x7f: {  	_ =	shalt  }
0x80: {  	_ =	shalt  }
0x81: {  	_ =	shalt  }
0x82: {  	_ =	shalt  }
0x83: {  	_ =	shalt  }
0x84: {  	_ =	shalt  }
0x85: {  	_ =	shalt  }
0x86: {  	_ =	shalt  }
0x87: {  	_ =	shalt  }
.Lfunc_end0:
.L_simem_size_0:
called_computation_lowered:
.L_overlay_start_0:
0x88: {  	s2 =	sld [smem:$0x3FD9]  }
0x89: {  	s3 =	sld [smem:$0x3FFE];
	_ =	sdelay $0x1  }
0x8a: {  	s1 =	srdreg.scid  }
0x8b: {  	s0 =	sand.u32 $0x1, s1  }
0x8c: {  	s18 =	sshll.u32 s0, $0xA;
	s2 =	sadd.s32 s3, s2  }
0x8d: {  	s2 =	sadd.s32 s2, s18  }
0x8e: {  	[smem:$0x3FC7] =	sst s2  }
0x8f: {  	_ = 	snop  }
0x90: {  	s2 =	sld [smem:$0x3FC9]  }
0x91: {  	s19 =	sld [smem:$0x3FD0];
	(tm) =	ssettm $0x1  }
0x92: {  	s4 =	sld [smem:$0x3FFB];
	_ =	sdelay $0x3  }
0x93: {  	_ =	strace s4  }
0x94: {  	s4 =	sld [smem:$0x3FFC];
	_ =	sdelay $0x3  }
0x95: {  	_ =	strace s4  }
0x96: {  	s4 =	sld [smem:$0x3FFD];
	_ =	sdelay $0x3  }
0x97: {  	_ =	strace s4  }
0x98: {  	_ =	strace $0x8FFFFFFF  }
0x99: {  	s20 =	sld [smem:$0x3FDB];
	_ =	sdelay $0x1  }
0x9a: {  	s5 =	simm.s32 $_scs_section_size  }
0x9b: {  	s6 =	simm.s32 $_size__tile_overlayer_lowered;
	s7 =	simm.s32 $_tile_overlayer_lowered  }
0x9c: {  	s23 =	simm.s32 $0x1BFF;
	s22 =	sshll.u32 s7, $0x1;
	s4 =	sadd.s32 s5, s20  }
0x9d: {  	s8 =	simm.s32 $0x0;
	s21 =	sshll.u32 s6, $0x1;
	s6 =	sadd.s32 s22, s4  }
0x9e: {  	[timem:s8], [sflag:s23] =	dma.local [hbm:s6], s21  }
0x9f: {  	_ =	swait.ge [sflag:s23], s21  }
0xa0: {  	s5 =	ssub.s32 $0x0, s21;
	[sflag:s23] =	ssyncset.done $0x0  }
0xa1: {  	[sflag:s23] =	ssyncadd.s32 s5;
	_ =	sdelay $0x1  }
0xa2: {  	s24 =	simm.s32 $0x1B8B  }
0xa3: {  	_ =	swait.ge [sflag:s24], $0x1  }
0xa4: {  	[sflag:s24] =	ssyncset.done $0x0  }
0xa5: {  	s25 =	simm.s32 $0x1B8E;
	[sflag:s24] =	ssyncadd.s32 $0xFFFFFFFF  }
0xa6: {  	s26 =	simm.s32 $execute0_lowered;
	[smem:$0x3FD2] =	sst s25  }
0xa7: {  	s5 =	sshll.u32 s26, $0x1;
	_ =	strace $0x80000046;
	[dreg:$0x1] =	wrdreg $0xFFFFFFFF  }
0xa8: {  	s28 =	simm.s32 $_size_execute0_lowered;
	s4 =	sadd.s32 s4, s5;
	[dreg:$0x0] =	wrdreg $0x0  }
0xa9: {  	s5 =	sshll.u32 s28, $0x1;
	[dreg:$0x2] =	wrdreg s4  }
0xaa: {  	[dreg:$0x3] =	wrdreg s5  }
0xab: {  	[dreg:$0x4] =	wrdreg $0xC0  }
0xac: {  	_ =	task [dreg:s8], $0x5FFFF  }
0xad: {  	[dreg:$0x1] =	wrdreg $0xFFFFFFFF  }
0xae: {  	[dreg:$0x0] =	wrdreg $0x60  }
0xaf: {  	[dreg:$0x2] =	wrdreg s2  }
0xb0: {  	[dreg:$0x3] =	wrdreg s19  }
0xb1: {  	[dreg:$0x4] =	wrdreg $0x9  }
0xb2: {  	_ =	task.clear_ibuf [dreg:s8], $0x5FFFF;
	_ =	strace $0x90000046  }
0xb3: {  	s29 =	simm.s32 $0x9;
	_ =	strace $0x80000048  }
0xb4: {  	_ =	swait.ge [sflag:s29], $0x1  }
0xb5: {  	[sflag:s29] =	ssyncadd.s32 $0xFFFFFFFF  }
0xb6: {  	_ =	strace $0x90000048  }
0xb7: {  	_ =	sfence  }
0xb8: {  	s30 =	sld [smem:$0x0];
	_ =	sdelay $0x2  }
0xb9: {  	s31 =	sshll.u32 s1, $0xD;
	s1 =	sshrl.u32 s1, $0x2  }
0xba: {  	s3 =	sand.u32 $0x4000, s31;
	s1 =	sadd.s32 s1, s30  }
0xbb: {  	s0 =	sor.u32 s3, s0;
	s1 =	sshll.u32 s1, $0x11  }
0xbc: {  	s0 =	sor.u32 s1, s0  }
0xbd: {  	s0 =	sadd.s32 $0x8F2B, s0  }
0xbe: {  	[sflag:s0] =	ssyncadd.remote.s32 $0x1  }
0xbf: {  	_ =	sfence.sel $0xFFFF  }
0xc0: {  	[dreg:$0x0] =	wrdreg $0xFFFFFFFF;
	(pc) =	sbr.abs _section_cstart, $3  }
0xc1: {  	[dreg:$0x1] =	wrdreg $0xFFFFFFFF  }
0xc2: {  	_ =	task.clear_ibuf [dreg:s8], $0x2FFFF;
	_ =	strace $0x9FFFFFFF  }
0xc3: {  	(tm) =	ssettm $0x7FFFFFFF  }
tec
execute0_lowered:
.L_overlay_start_1:
0x0: {  	(tag) =	ssettag $0x1  }
0x1: {  	s6 =	rddreg [dreg:$0x0]  }
0x2: {  	s7 =	rddreg [dreg:$0x1]  }
0x3: {  	s0 =	rddreg [dreg:$0x2];
	s3 =	srdreg.scid  }
0x4: {  	s2 =	simm.s32 $0x0;
	s1 =	stileid.u32;
	s13 =	simm.s32 $0x1  }
0x5: {  	s14 =	simm.s32 $0x2;
	s15 =	simm.s32 $0x0;
	s3 =	sand.u32 $0x1, s3  }
0x6: {  	s8 =	sshll.u32 s1, $0x10;
	[smem:$0x7FF] =	sst s2;
	s4 =	ssub.s32 $0x2, s3  }
0x7: {  	s9 =	sshll.u32 s3, $0xF;
	_ =	strace $0x80000047;
	s11 =	sadd.s32 s8, s6  }
0x8: {  	s12 =	sadd.s32 s8, s7;
	s31 =	sshrl.u32 s4, $0x1;
	s5 =	sor.u32 s9, s8  }
0x9: {  	s11 =	sadd.s32 s9, s11;
	s9 =	sadd.s32 s9, s12;
	s12 =	simm.s32 $0xC000  }
0xa: {  	s10 =	ssub.s32 s4, s31;
	s3 =	sadd.s32 s6, s5;
	s8 =	sadd.s32 $0x1000, s11  }
0xb: {  	s11 =	simm.s32 $0x8000;
	s4 =	sadd.s32 $0x800, s3;
	s5 =	sadd.s32 $0x1000, s3  }
0xc: {  	s6 =	sadd.s32 $0x1800, s3;
	s7 =	smax.u32 s10, $0x1;
	s10 =	simm.s32 $0x4000  }
.LBB2_1:
0xd: {  	[tilespmem:s2], [sflag:$0x1] =	stream.linear.gather [hbm4b:s3+s2], $0x4000, $0x38;
	[tilespmem:$0x10000] =	vst v63  }
0xe: {  	_ = 	snop  }
0xf: {  	[tilespmem:s10], [sflag:$0x1] =	stream.linear.gather [hbm4b:s4+s2], $0x4000, $0x38;
	[tilespmem:$0x10000] =	vst v63  }
0x10: {  	_ = 	snop  }
0x11: {  	[tilespmem:s11], [sflag:$0x1] =	stream.linear.gather [hbm4b:s5+s2], $0x4000, $0x38;
	[tilespmem:$0x10000] =	vst v63  }
0x12: {  	_ = 	snop  }
0x13: {  	[tilespmem:s12], [sflag:$0x1] =	stream.linear.gather [hbm4b:s6+s2], $0x4000, $0x38;
	[tilespmem:$0x10000] =	vst v63  }
0x14: {  	_ =	swait.ge [sflag:s13], $0x4000  }
0x15: {  	s16 =	sand.u32 $0x30000, s2;
	[sflag:s13] =	ssyncset.done $0x0  }
0x16: {  	p0 =	por $0x1, $0x1;
	s17 =	sshrl.u32 s16, $0x2;
	[sflag:s13] =	ssyncadd.s32 $0xFFFFC000  }
0x17: {  	[hbm4b:s9+s2] =	stream.linear.scatter [tilespmem:s17], [sflag:$0x2], $0x4000, $0x38;
	[tilespmem:$0x10000] =	vst v63  }
0x18: {  	s17 =	simm.s32 @!p0 $0x2  }
0x19: {  	_ =	swait.ge @!p0 [sflag:s17], $0x4000  }
0x1a: {  	s18 =	simm.s32 $0x10000;
	s16 =	sxor.u32 @!p0 $0x20000, s16;
	[sflag:s17] =	ssyncset.done @!p0 $0x0  }
0x1b: {  	s16 =	sshrl.u32 @!p0 s16, $0x2;
	[sflag:s17] =	ssyncadd.s32 @!p0 $0xFFFFC000;
	s17 =	simm.s32 @!p0 $0x0  }
0x1c: {  	[tilespmem:s16], [sflag:$0x1] =	stream.linear.gather @!p0 [hbm4b:s8+s17], $0x4000, $0x38;
	[tilespmem:$0x10000] =	vst v63  }
0x1d: {  	s19 =	smov.u32 s8;
	s16 =	simm.s32 $0xFFFFFFFF;
	s17 =	sadd.s32 $0x800, s9  }
.LBB2_2:
0x1e: {  	_ =	swait.ge [sflag:s13], $0x4000  }
0x1f: {  	s19 =	sadd.s32 $0x800, s19;
	s20 =	smov.u32 s16;
	s16 =	sadd.s32 $0x1, s16  }
0x20: {  	s21 =	sand.u32 $0x30000, s18;
	[sflag:s13] =	ssyncset.done $0x0;
	p0 =	sne.s32 s16, $0xE  }
0x21: {  	s22 =	sshrl.u32 s21, $0x2;
	p1 =	sgt.u32 s20, $0xB;
	[sflag:s13] =	ssyncadd.s32 $0xFFFFC000  }
0x22: {  	[hbm4b:s17+s2] =	stream.linear.scatter [tilespmem:s22], [sflag:$0x2], $0x4000, $0x38;
	[tilespmem:$0x10000] =	vst v63  }
0x23: {  	s20 =	simm.s32 @!p1 $0x2;
	s21 =	sxor.u32 @!p1 $0x20000, s21  }
.Ltmp0:
0x24: {  	s21 =	sshrl.u32 @!p1 s21, $0x2;
	_ =	swait.ge @!p1 [sflag:s20], $0x4000;
	(pc) =	sbr.rel @p0 .LBB2_2-.Ltmp0, $4  }
0x25: {  	[sflag:s20] =	ssyncset.done @!p1 $0x0  }
0x26: {  	[sflag:s20] =	ssyncadd.s32 @!p1 $0xFFFFC000;
	s20 =	simm.s32 @!p1 $0x0  }
0x27: {  	[tilespmem:s21], [sflag:$0x1] =	stream.linear.gather @!p1 [hbm4b:s19+s20], $0x4000, $0x38;
	[tilespmem:$0x10000] =	vst v63  }
0x28: {  	s18 =	sadd.s32 $0x10000, s18;
	s17 =	sadd.s32 $0x800, s17  }
0x29: {  	_ =	swait.ge [sflag:s14], $0x4000  }
0x2a: {  	[sflag:s14] =	ssyncset.done $0x0  }
0x2b: {  	[sflag:s14] =	ssyncadd.s32 $0xFFFFC000  }
0x2c: {  	_ =	swait.ge [sflag:s14], $0x4000  }
0x2d: {  	[sflag:s14] =	ssyncset.done $0x0  }
0x2e: {  	s15 =	sadd.s32 $0x1, s15;
	[sflag:s14] =	ssyncadd.s32 $0xFFFFC000  }
0x2f: {  	p0 =	sne.s32 s15, s7;
	_ =	swait.ge [sflag:s14], $0x4000  }
.Ltmp1:
0x30: {  	[sflag:s14] =	ssyncset.done $0x0;
	(pc) =	sbr.rel @p0 .LBB2_1-.Ltmp1, $4  }
0x31: {  	[sflag:s14] =	ssyncadd.s32 $0xFFFFC000  }
0x32: {  	_ =	swait.ge [sflag:s14], $0x4000  }
0x33: {  	[sflag:s14] =	ssyncset.done $0x0  }
0x34: {  	[sflag:s14] =	ssyncadd.s32 $0xFFFFC000  }
0x35: {  	_ =	sfence.sel $0x180000  }
0x36: {  	[bflag:$0x0] =	sbarrier.arrive $0xFFFF  }
0x37: {  	p0 =	sne.s32 s1, $0x0;
	_ =	strace $0x90000047  }
0x38: {  	s0 =	sadd.s32 @!p0 $0x100000, s0;
	[bflag:$0x2] =	sbarrier.arrive $0xFFFF  }
0x39: {  	[sflag:s0] =	ssyncadd.tile.s32 @!p0 $0x1;
	_ =	shalt  }
.Lfunc_end2:
_tile_overlayer_lowered:
.L_overlay_start_2:
0x3a: {  	(tag) =	ssettag $0x2  }
0x3b: {  	s0 =	rddreg [dreg:$0x0];
	s2 =	stileid.u32  }
0x3c: {  	s1 =	rddreg [dreg:$0x1];
	p0 =	sne.s32 s2, $0x0  }
0x3d: {  	s3 =	rddreg [dreg:$0x2];
	[bflag:$0x3] =	sbarrier.arrive $0xFFFF;
	s2 =	simm.s32 @!p0 $0x1C03  }
0x3e: {  	[timem:s3], [sflag:s2] =	dma.local @!p0 [hbm:s0], s1  }
0x3f: {  	s0 =	simm.s32 @!p0 $0x3  }
0x40: {  	_ =	swait.ge @!p0 [sflag:s0], s1  }
0x41: {  	s1 =	ssub.s32 @!p0 $0x0, s1;
	[sflag:s0] =	ssyncset.done @!p0 $0x0  }
0x42: {  	[sflag:s0] =	ssyncadd.s32 @!p0 s1  }
0x43: {  	[bflag:$0x3] =	sbarrier.arrive $0xFFFF  }
0x44: {  	_ =	shalt  }

</sc_bundles>
